<compile_context>
chip_gen: v7x
topology: tpu7x:2x2x1
jax: 0.10.2.dev20260603
libtpu: 0.0.44.dev20260713+nightly
codegen_flags: <defaults>
</compile_context>

<pallas_src>
import jax
import jax.numpy as jnp
from jax import lax
from jax.experimental import pallas as pl
from jax.experimental.pallas import tpu as pltpu
from jax.experimental.pallas import tpu_sc as plsc
from jax._src.pallas import mpmd as _plmpmd

R, C = 128, 32768
BC = 16384
NB = C // BC
INT_MAX = 2147483647

NC, NS = 2, 16
NW = NC * NS
ZROWS = 8
ZBUF = 2048
ZCOLS = C // 2
NZDMA = ZCOLS // ZBUF


def _zerofill_body(out_hbm, zbuf, sem):
    w = lax.axis_index("s") * NC + lax.axis_index("c")
    row0 = (w % 16) * ZROWS
    col0 = (w // 16) * ZCOLS

    def zero_buf(t, c):
        zbuf[t // (ZBUF // 16), pl.ds((t % (ZBUF // 16)) * 16, 16)] = (
            jnp.zeros((16,), jnp.float32)
        )
        return c

    lax.fori_loop(0, ZROWS * ZBUF // 16, zero_buf, 0)
    zbuf2d = zbuf

    def fire(k, c):
        pltpu.async_copy(
            zbuf2d,
            out_hbm.at[pl.ds(row0, ZROWS), pl.ds(col0 + k * ZBUF, ZBUF)],
            sem,
        ).start()
        return c

    lax.fori_loop(0, NZDMA, fire, 0)

    def drain(k, c):
        pltpu.async_copy(
            zbuf2d,
            out_hbm.at[pl.ds(row0, ZROWS), pl.ds(col0, ZBUF)],
            sem,
        ).wait()
        return c

    lax.fori_loop(0, NZDMA, drain, 0)


_sc_zerofill = _plmpmd._mpmd_map(
    [(
        plsc.VectorSubcoreMesh(core_axis_name="c", subcore_axis_name="s"),
        _zerofill_body,
    )],
    out_types=jax.ShapeDtypeStruct((R, C), jnp.float32),
    scratch_types=[
        pltpu.VMEM((ZROWS, ZBUF), jnp.float32),
        pltpu.SemaphoreType.DMA,
    ],
)


def _amax_body(x_ref, idx_ref, fix_ref, m_scr, i_scr):
    j = pl.program_id(0)
    blk = x_ref[...]
    m = jnp.max(blk, axis=1, keepdims=True)
    liota = lax.broadcasted_iota(jnp.int32, blk.shape, 1)
    cand = jnp.where(blk == m, liota, INT_MAX)
    ci = jnp.min(cand, axis=1, keepdims=True) + j * BC

    @pl.when(j == 0)
    def _():
        m_scr[...] = m
        i_scr[...] = ci

    @pl.when(j > 0)
    def _():
        upd = m > m_scr[...]
        i_scr[...] = jnp.where(upd, ci, i_scr[...])
        m_scr[...] = jnp.where(upd, m, m_scr[...])

    @pl.when(j == NB - 1)
    def _():
        idx_ref[...] = i_scr[...]
        lane = lax.broadcasted_iota(jnp.int32, (R, 128), 1)
        fix_ref[...] = jnp.where(
            lane == i_scr[...] % 128, 1.0, 0.0
        ).astype(jnp.float32)


def _fixup_body(idx_smem, fix_ref, zeros_ref, out_ref, fsem):
    del zeros_ref

    def fire(r, c):
        base = (idx_smem[r, 0] // 128) * 128
        pltpu.make_async_copy(
            fix_ref.at[pl.ds(r, 1), :],
            out_ref.at[pl.ds(r, 1), pl.ds(base, 128)],
            fsem,
        ).start()
        return c

    lax.fori_loop(0, R, fire, 0)

    def fdrain(_, c):
        pltpu.make_async_copy(
            fix_ref.at[pl.ds(0, 1), :],
            out_ref.at[pl.ds(0, 1), pl.ds(0, 128)],
            fsem,
        ).wait()
        return c

    lax.fori_loop(0, R, fdrain, 0)


def kernel(x):
    zeros2d = _sc_zerofill()

    idx, fixline = pl.pallas_call(
        _amax_body,
        grid=(NB,),
        in_specs=[pl.BlockSpec((R, BC), lambda j: (0, j))],
        out_specs=[
            pl.BlockSpec((R, 1), lambda j: (0, 0)),
            pl.BlockSpec((R, 128), lambda j: (0, 0)),
        ],
        out_shape=[
            jax.ShapeDtypeStruct((R, 1), jnp.int32),
            jax.ShapeDtypeStruct((R, 128), jnp.float32),
        ],
        scratch_shapes=[
            pltpu.VMEM((R, 1), jnp.float32),
            pltpu.VMEM((R, 1), jnp.int32),
        ],
        compiler_params=pltpu.CompilerParams(
            dimension_semantics=("arbitrary",),
        ),
    )(x)

    return pl.pallas_call(
        _fixup_body,
        grid=(1,),
        in_specs=[
            pl.BlockSpec(memory_space=pltpu.SMEM),
            pl.BlockSpec((R, 128), lambda i: (0, 0)),
            pl.BlockSpec(memory_space=pl.ANY),
        ],
        out_specs=pl.BlockSpec(memory_space=pl.ANY),
        out_shape=jax.ShapeDtypeStruct((R, C), jnp.float32),
        input_output_aliases={2: 0},
        scratch_shapes=[pltpu.SemaphoreType.DMA],
    )(idx, fixline, zeros2d)

# --- scband reference (transcript-rebuilt; emitter-appended) ---
"""Pipeline reference for scband-straight-through-estimator-45062796869678 (READ-ONLY COPY).

The authoritative reference and input builder live on the scoring server;
editing this copy changes nothing except your own understanding.
"""

import jax, jax.numpy as jnp
import numpy as np

TEMPERATURE = 0.001

def setup_inputs(seed: int = 0) -> dict:
    key = jax.random.key(seed)
    x = jax.random.normal(key, (128, 32768), dtype=jnp.float32)
    return {"x": x}

def reference(x):
    # STEFunction.forward: hard one-hot of argmax along dim=1
    indices = jnp.argmax(x, axis=1)
    out = jax.nn.one_hot(indices, x.shape[1], dtype=jnp.float32)
    return out

if __name__ == "__main__":
    import jax
    _d = setup_inputs()
    print(jax.jit(kernel)(*tuple(_d.values())))

</pallas_src>

<mosaic_0001>
#map = affine_map<(d0, d1) -> (0, 0)>
module attributes {stable_mosaic.version = 14 : i64} {
  func.func @_zerofill_body(%arg0: i32, %arg1: i32, %arg2: memref<128x32768xf32, #tpu.memory_space<hbm>>, %arg3: memref<8x2048xf32, #tpu.memory_space<vmem>>, %arg4: memref<!tpu.dma_semaphore, #tpu.memory_space<semaphore_mem>>) attributes {dimension_semantics = [#tpu.dimension_semantics<core_parallel>, #tpu.dimension_semantics<subcore_parallel>], iteration_bounds = array<i64: 2, 16>, scalar_prefetch = 0 : i64, scratch_operands = 2 : i64, tpu.core_type = #tpu.core_type<sc_vector_subcore>, window_params = [{transform_indices = #map}]} {
    %mul3A = arith.constant 2 : i32
    %mul3A_0 = arith.muli %arg1, %mul3A : i32
    %add3A = arith.addi %mul3A_0, %arg0 : i32
    %jit3A = arith.constant 16 : i32
    %eq3A = arith.constant 0 : i32
    %eq3A_1 = arith.cmpi eq, %jit3A, %eq3A : i32
    %jit3A_2 = arith.constant 1 : i32
    %select_n3A = arith.select %eq3A_1, %jit3A_2, %jit3A : i32
    %rem3A = arith.remsi %add3A, %select_n3A : i32
    %ne3A = arith.constant 0 : i32
    %ne3A_3 = arith.cmpi ne, %rem3A, %ne3A : i32
    %lt3A = arith.constant 0 : i32
    %lt3A_4 = arith.cmpi slt, %rem3A, %lt3A : i32
    %lt3A_5 = arith.constant 0 : i32
    %lt3A_6 = arith.cmpi slt, %select_n3A, %lt3A_5 : i32
    %ne3A_7 = arith.xori %lt3A_4, %lt3A_6 : i1
    %and3A = arith.andi %ne3A_7, %ne3A_3 : i1
    %add3A_8 = arith.addi %rem3A, %select_n3A : i32
    %select_n3A_9 = arith.select %and3A, %add3A_8, %rem3A : i32
    %mul3A_10 = arith.constant 8 : i32
    %mul3A_11 = arith.muli %select_n3A_9, %mul3A_10 : i32
    %jit3A_12 = arith.constant 16 : i32
    %div3A = arith.divsi %add3A, %jit3A_12 : i32
    %sign3A = arith.constant 0 : i32
    %sign3A_13 = arith.cmpi sgt, %add3A, %sign3A : i32
    %sign3A_14 = arith.extui %sign3A_13 : i1 to i32
    %sign3A_15 = arith.constant 0 : i32
    %sign3A_16 = arith.cmpi slt, %add3A, %sign3A_15 : i32
    %sign3A_17 = arith.extui %sign3A_16 : i1 to i32
    %sign3A_18 = arith.subi %sign3A_14, %sign3A_17 : i32
    %sign3A_19 = arith.constant 0 : i32
    %sign3A_20 = arith.cmpi sgt, %jit3A_12, %sign3A_19 : i32
    %sign3A_21 = arith.extui %sign3A_20 : i1 to i32
    %sign3A_22 = arith.constant 0 : i32
    %sign3A_23 = arith.cmpi slt, %jit3A_12, %sign3A_22 : i32
    %sign3A_24 = arith.extui %sign3A_23 : i1 to i32
    %sign3A_25 = arith.subi %sign3A_21, %sign3A_24 : i32
    %ne3A_26 = arith.cmpi ne, %sign3A_18, %sign3A_25 : i32
    %rem3A_27 = arith.remsi %add3A, %jit3A_12 : i32
    %ne3A_28 = arith.constant 0 : i32
    %ne3A_29 = arith.cmpi ne, %rem3A_27, %ne3A_28 : i32
    %and3A_30 = arith.andi %ne3A_26, %ne3A_29 : i1
    %sub3A = arith.constant 1 : i32
    %sub3A_31 = arith.subi %div3A, %sub3A : i32
    %select_n3A_32 = arith.select %and3A_30, %sub3A_31, %div3A : i32
    %mul3A_33 = arith.constant 16384 : i32
    %mul3A_34 = arith.muli %select_n3A_32, %mul3A_33 : i32
    %scan3A = arith.constant 0 : i32
    %scan3A_35 = arith.constant 0 : i32
    %scan3A_36 = arith.constant 1024 : i32
    %scan3A_37 = arith.addi %scan3A_35, %scan3A_36 : i32
    %scan3A_38 = arith.constant 1 : i32
    scf.for %scan3A_52 = %scan3A_35 to %scan3A_37 step %scan3A_38  : i32 {
      %broadcast_in_dim3A = arith.constant 0.000000e+00 : f32
      %broadcast_in_dim3A_53 = vector.broadcast %broadcast_in_dim3A : f32 to vector<16xf32>
      %jit3A_54 = arith.constant 128 : i32
      %div3A_55 = arith.divsi %scan3A_52, %jit3A_54 : i32
      %sign3A_56 = arith.constant 0 : i32
      %sign3A_57 = arith.cmpi sgt, %scan3A_52, %sign3A_56 : i32
      %sign3A_58 = arith.extui %sign3A_57 : i1 to i32
      %sign3A_59 = arith.constant 0 : i32
      %sign3A_60 = arith.cmpi slt, %scan3A_52, %sign3A_59 : i32
      %sign3A_61 = arith.extui %sign3A_60 : i1 to i32
      %sign3A_62 = arith.subi %sign3A_58, %sign3A_61 : i32
      %sign3A_63 = arith.constant 0 : i32
      %sign3A_64 = arith.cmpi sgt, %jit3A_54, %sign3A_63 : i32
      %sign3A_65 = arith.extui %sign3A_64 : i1 to i32
      %sign3A_66 = arith.constant 0 : i32
      %sign3A_67 = arith.cmpi slt, %jit3A_54, %sign3A_66 : i32
      %sign3A_68 = arith.extui %sign3A_67 : i1 to i32
      %sign3A_69 = arith.subi %sign3A_65, %sign3A_68 : i32
      %ne3A_70 = arith.cmpi ne, %sign3A_62, %sign3A_69 : i32
      %rem3A_71 = arith.remsi %scan3A_52, %jit3A_54 : i32
      %ne3A_72 = arith.constant 0 : i32
      %ne3A_73 = arith.cmpi ne, %rem3A_71, %ne3A_72 : i32
      %and3A_74 = arith.andi %ne3A_70, %ne3A_73 : i1
      %sub3A_75 = arith.constant 1 : i32
      %sub3A_76 = arith.subi %div3A_55, %sub3A_75 : i32
      %select_n3A_77 = arith.select %and3A_74, %sub3A_76, %div3A_55 : i32
      %jit3A_78 = arith.constant 128 : i32
      %eq3A_79 = arith.constant 0 : i32
      %eq3A_80 = arith.cmpi eq, %jit3A_78, %eq3A_79 : i32
      %jit3A_81 = arith.constant 1 : i32
      %select_n3A_82 = arith.select %eq3A_80, %jit3A_81, %jit3A_78 : i32
      %rem3A_83 = arith.remsi %scan3A_52, %select_n3A_82 : i32
      %ne3A_84 = arith.constant 0 : i32
      %ne3A_85 = arith.cmpi ne, %rem3A_83, %ne3A_84 : i32
      %lt3A_86 = arith.constant 0 : i32
      %lt3A_87 = arith.cmpi slt, %rem3A_83, %lt3A_86 : i32
      %lt3A_88 = arith.constant 0 : i32
      %lt3A_89 = arith.cmpi slt, %select_n3A_82, %lt3A_88 : i32
      %ne3A_90 = arith.xori %lt3A_87, %lt3A_89 : i1
      %and3A_91 = arith.andi %ne3A_90, %ne3A_85 : i1
      %add3A_92 = arith.addi %rem3A_83, %select_n3A_82 : i32
      %select_n3A_93 = arith.select %and3A_91, %add3A_92, %rem3A_83 : i32
      %mul3A_94 = arith.constant 16 : i32
      %mul3A_95 = arith.muli %select_n3A_93, %mul3A_94 : i32
      %swap3A = arith.index_cast %select_n3A_77 : i32 to index
      %swap3A_96 = arith.index_cast %mul3A_95 : i32 to index
      %swap3A_97 = tpu.vector_load %arg3[%swap3A, %swap3A_96] {strides = array<i32>} : memref<8x2048xf32, #tpu.memory_space<vmem>>, vector<1x16xf32>,
      %swap3A_98 = vector.shape_cast %swap3A_97 : vector<1x16xf32> to vector<16xf32>
      %swap3A_99 = vector.shape_cast %broadcast_in_dim3A_53 : vector<16xf32> to vector<1x16xf32>
      tpu.vector_store %arg3[%swap3A, %swap3A_96], %swap3A_99 {strides = array<i32>} : memref<8x2048xf32, #tpu.memory_space<vmem>>, vector<1x16xf32>,
    }
    %scan3A_39 = arith.constant 1024 : i32
    %scan3A_40 = arith.constant 0 : i32
    %scan3A_41 = arith.constant 0 : i32
    %scan3A_42 = arith.constant 8 : i32
    %scan3A_43 = arith.addi %scan3A_41, %scan3A_42 : i32
    %scan3A_44 = arith.constant 1 : i32
    scf.for %scan3A_52 = %scan3A_41 to %scan3A_43 step %scan3A_44  : i32 {
      %mul3A_53 = arith.constant 2048 : i32
      %mul3A_54 = arith.muli %scan3A_52, %mul3A_53 : i32
      %add3A_55 = arith.addi %mul3A_34, %mul3A_54 : i32
      %dma_start3A = tpu.memref_slice %arg2[%mul3A_11, %add3A_55] : memref<128x32768xf32, #tpu.memory_space<hbm>> -> memref<8x2048xf32, #tpu.memory_space<hbm>>
      %dma_start3A_56 = tpu.memref_slice %arg2[%mul3A_11, %add3A_55] : memref<128x32768xf32, #tpu.memory_space<hbm>> -> memref<8x2048xf32, #tpu.memory_space<hbm>>
      tpu.enqueue_dma source(%arg3 : memref<8x2048xf32, #tpu.memory_space<vmem>>) target(%dma_start3A_56 : memref<8x2048xf32, #tpu.memory_space<hbm>>) target_semaphore(%arg4 : memref<!tpu.dma_semaphore, #tpu.memory_space<semaphore_mem>>)
      %dma_start3A_57 = tpu.memref_slice %arg2[%mul3A_11, %add3A_55] : memref<128x32768xf32, #tpu.memory_space<hbm>> -> memref<8x2048xf32, #tpu.memory_space<hbm>>
      %dma_start3A_58 = tpu.memref_slice %arg2[%mul3A_11, %add3A_55] : memref<128x32768xf32, #tpu.memory_space<hbm>> -> memref<8x2048xf32, #tpu.memory_space<hbm>>
      tpu.enqueue_dma source(%arg3 : memref<8x2048xf32, #tpu.memory_space<vmem>>) target(%dma_start3A_58 : memref<8x2048xf32, #tpu.memory_space<hbm>>) target_semaphore(%arg4 : memref<!tpu.dma_semaphore, #tpu.memory_space<semaphore_mem>>)
    }
    %scan3A_45 = arith.constant 8 : i32
    %scan3A_46 = arith.constant 0 : i32
    %scan3A_47 = arith.constant 0 : i32
    %scan3A_48 = arith.constant 8 : i32
    %scan3A_49 = arith.addi %scan3A_47, %scan3A_48 : i32
    %scan3A_50 = arith.constant 1 : i32
    scf.for %scan3A_52 = %scan3A_47 to %scan3A_49 step %scan3A_50  : i32 {
      %dma_start3A = tpu.memref_slice %arg2[%mul3A_11, %mul3A_34] : memref<128x32768xf32, #tpu.memory_space<hbm>> -> memref<8x2048xf32, #tpu.memory_space<hbm>>
      %dma_start3A_53 = tpu.memref_slice %arg2[%mul3A_11, %mul3A_34] : memref<128x32768xf32, #tpu.memory_space<hbm>> -> memref<8x2048xf32, #tpu.memory_space<hbm>>
      tpu.enqueue_dma source(%arg3 : memref<8x2048xf32, #tpu.memory_space<vmem>>) target(%dma_start3A_53 : memref<8x2048xf32, #tpu.memory_space<hbm>>) target_semaphore(%arg4 : memref<!tpu.dma_semaphore, #tpu.memory_space<semaphore_mem>>)
      %dma_wait3A = tpu.memref_slice %arg2[%mul3A_11, %mul3A_34] : memref<128x32768xf32, #tpu.memory_space<hbm>> -> memref<8x2048xf32, #tpu.memory_space<hbm>>
      %dma_wait3A_54 = tpu.memref_slice %arg2[%mul3A_11, %mul3A_34] : memref<128x32768xf32, #tpu.memory_space<hbm>> -> memref<8x2048xf32, #tpu.memory_space<hbm>>
      tpu.wait_dma2 semaphore(%arg4 : memref<!tpu.dma_semaphore, #tpu.memory_space<semaphore_mem>>) src(%arg3 : memref<8x2048xf32, #tpu.memory_space<vmem>>) dst(%dma_wait3A_54 : memref<8x2048xf32, #tpu.memory_space<hbm>>)
    }
    %scan3A_51 = arith.constant 8 : i32
    return
  }
}

module attributes {stable_mosaic.version = 14 : i64} {
  func.func @_fixup_body(%arg0: i32, %arg1: memref<128x1xi32, #tpu.memory_space<smem>>, %arg2: memref<128x128xf32, #tpu.memory_space<vmem>>, %arg3: memref<128x32768xf32, #tpu.memory_space<any>>, %arg4: memref<128x32768xf32, #tpu.memory_space<any>>, %arg5: memref<!tpu.dma_semaphore, #tpu.memory_space<semaphore_mem>>) attributes {dimension_semantics = [#tpu.dimension_semantics<arbitrary>], iteration_bounds = array<i64: 1>, scalar_prefetch = 0 : i64, scratch_operands = 1 : i64, tpu.core_type = #tpu.core_type<tc>, window_params = [{transform_indices = @transform_0, window_bounds = array<i64: 128, 1>}, {pipeline_mode = #tpu.pipeline_mode<synchronous>, transform_indices = @transform_1, window_bounds = array<i64: 128, 128>}, {}, {}]} {
    %scan3A = arith.constant 0 : i32
    %scan3A_0 = arith.constant 128 : i32
    %scan3A_1 = arith.addi %scan3A, %scan3A_0 : i32
    %scan3A_2 = arith.constant 1 : i32
    scf.for %scan3A_8 = %scan3A to %scan3A_1 step %scan3A_2  : i32 {
      %get3A = arith.index_cast %scan3A_8 : i32 to index
      %get3A_9 = arith.constant 0 : index
      %get3A_10 = memref.load %arg1[%get3A, %get3A_9] : memref<128x1xi32, #tpu.memory_space<smem>>
      %jit3A = arith.constant 128 : i32
      %div3A = arith.divsi %get3A_10, %jit3A : i32
      %sign3A = arith.constant 0 : i32
      %sign3A_11 = arith.cmpi sgt, %get3A_10, %sign3A : i32
      %sign3A_12 = arith.extui %sign3A_11 : i1 to i32
      %sign3A_13 = arith.constant 0 : i32
      %sign3A_14 = arith.cmpi slt, %get3A_10, %sign3A_13 : i32
      %sign3A_15 = arith.extui %sign3A_14 : i1 to i32
      %sign3A_16 = arith.subi %sign3A_12, %sign3A_15 : i32
      %sign3A_17 = arith.constant 0 : i32
      %sign3A_18 = arith.cmpi sgt, %jit3A, %sign3A_17 : i32
      %sign3A_19 = arith.extui %sign3A_18 : i1 to i32
      %sign3A_20 = arith.constant 0 : i32
      %sign3A_21 = arith.cmpi slt, %jit3A, %sign3A_20 : i32
      %sign3A_22 = arith.extui %sign3A_21 : i1 to i32
      %sign3A_23 = arith.subi %sign3A_19, %sign3A_22 : i32
      %ne3A = arith.cmpi ne, %sign3A_16, %sign3A_23 : i32
      %rem3A = arith.remsi %get3A_10, %jit3A : i32
      %ne3A_24 = arith.constant 0 : i32
      %ne3A_25 = arith.cmpi ne, %rem3A, %ne3A_24 : i32
      %and3A = arith.andi %ne3A, %ne3A_25 : i1
      %sub3A = arith.constant 1 : i32
      %sub3A_26 = arith.subi %div3A, %sub3A : i32
      %select_n3A = arith.select %and3A, %sub3A_26, %div3A : i32
      %mul3A = arith.constant 128 : i32
      %mul3A_27 = arith.muli %select_n3A, %mul3A : i32
      %dma_start3A = tpu.memref_slice %arg4[%scan3A_8, %mul3A_27] : memref<128x32768xf32, #tpu.memory_space<any>> -> memref<1x128xf32, #tpu.memory_space<any>>
      %dma_start3A_28 = arith.constant 0 : i32
      %dma_start3A_29 = tpu.memref_slice %arg2[%scan3A_8, %dma_start3A_28] : memref<128x128xf32, #tpu.memory_space<vmem>> -> memref<1x128xf32, #tpu.memory_space<vmem>>
      tpu.enqueue_dma source(%dma_start3A_29 : memref<1x128xf32, #tpu.memory_space<vmem>>) target(%dma_start3A : memref<1x128xf32, #tpu.memory_space<any>>) target_semaphore(%arg5 : memref<!tpu.dma_semaphore, #tpu.memory_space<semaphore_mem>>)
    }
    %scan3A_3 = arith.constant 128 : i32
    %scan3A_4 = arith.constant 0 : i32
    %scan3A_5 = arith.constant 128 : i32
    %scan3A_6 = arith.addi %scan3A_4, %scan3A_5 : i32
    %scan3A_7 = arith.constant 1 : i32
    scf.for %scan3A_8 = %scan3A_4 to %scan3A_6 step %scan3A_7  : i32 {
      %dma_wait3A = arith.constant 0 : i32
      %dma_wait3A_9 = arith.constant 0 : i32
      %dma_wait3A_10 = tpu.memref_slice %arg4[%dma_wait3A, %dma_wait3A_9] : memref<128x32768xf32, #tpu.memory_space<any>> -> memref<1x128xf32, #tpu.memory_space<any>>
      %dma_wait3A_11 = arith.constant 0 : i32
      %dma_wait3A_12 = arith.constant 0 : i32
      %dma_wait3A_13 = tpu.memref_slice %arg2[%dma_wait3A_11, %dma_wait3A_12] : memref<128x128xf32, #tpu.memory_space<vmem>> -> memref<1x128xf32, #tpu.memory_space<vmem>>
      tpu.wait_dma2 semaphore(%arg5 : memref<!tpu.dma_semaphore, #tpu.memory_space<semaphore_mem>>) src(%dma_wait3A_13 : memref<1x128xf32, #tpu.memory_space<vmem>>) dst(%dma_wait3A_10 : memref<1x128xf32, #tpu.memory_space<any>>)
    }
    return
  }
  func.func @transform_0(%arg0: i32) -> (i32, i32) {
    %c0_i32 = arith.constant 0 : i32
    %c0_i32_0 = arith.constant 0 : i32
    %c0_i32_1 = arith.constant 0 : i32
    return %c0_i32, %c0_i32_0 : i32, i32
  }
  func.func @transform_1(%arg0: i32) -> (i32, i32) {
    %c0_i32 = arith.constant 0 : i32
    %c0_i32_0 = arith.constant 0 : i32
    %c0_i32_1 = arith.constant 0 : i32
    return %c0_i32, %c0_i32_0 : i32, i32
  }
}

module attributes {stable_mosaic.version = 14 : i64} {
  func.func @_amax_body(%arg0: i32, %arg1: memref<128x16384xf32, #tpu.memory_space<vmem>>, %arg2: memref<128x1xi32, #tpu.memory_space<vmem>>, %arg3: memref<128x128xf32, #tpu.memory_space<vmem>>, %arg4: memref<128x1xf32, #tpu.memory_space<vmem>>, %arg5: memref<128x1xi32, #tpu.memory_space<vmem>>) attributes {dimension_semantics = [#tpu.dimension_semantics<arbitrary>], iteration_bounds = array<i64: 2>, scalar_prefetch = 0 : i64, scratch_operands = 2 : i64, tpu.core_type = #tpu.core_type<tc>, window_params = [{transform_indices = @transform_0, window_bounds = array<i64: 128, 16384>}, {pipeline_mode = #tpu.pipeline_mode<synchronous>, transform_indices = @transform_1, window_bounds = array<i64: 128, 1>}, {pipeline_mode = #tpu.pipeline_mode<synchronous>, transform_indices = @transform_2, window_bounds = array<i64: 128, 128>}]} {
    %get3A = arith.constant 0 : index
    %get3A_0 = arith.constant 0 : index
    %get3A_1 = vector.load %arg1[%get3A, %get3A_0] : memref<128x16384xf32, #tpu.memory_space<vmem>>, vector<128x16384xf32>
    %reduce_max3A = arith.constant dense<0xFF800000> : vector<128xf32>
    %reduce_max3A_2 = vector.multi_reduction <maximumf>, %get3A_1, %reduce_max3A [1] : vector<128x16384xf32> to vector<128xf32>
    %broadcast_in_dim3A = vector.shape_cast %reduce_max3A_2 : vector<128xf32> to vector<128x1xf32>
    %iota3A = tpu.iota {dimensions = array<i32: 1>} : vector<128x16384xi32>
    %eq3A = vector.broadcast %broadcast_in_dim3A : vector<128x1xf32> to vector<128x16384xf32>
    %eq3A_3 = arith.cmpf oeq, %get3A_1, %eq3A : vector<128x16384xf32>
    %jit3A = arith.constant 2147483647 : i32
    %broadcast_in_dim3A_4 = vector.broadcast %jit3A : i32 to vector<128x16384xi32>
    %select_n3A = arith.select %eq3A_3, %iota3A, %broadcast_in_dim3A_4 : vector<128x16384xi1>, vector<128x16384xi32>
    %reduce_min3A = arith.constant dense<2147483647> : vector<128xi32>
    %reduce_min3A_5 = vector.multi_reduction <minsi>, %select_n3A, %reduce_min3A [1] : vector<128x16384xi32> to vector<128xi32>
    %broadcast_in_dim3A_6 = vector.shape_cast %reduce_min3A_5 : vector<128xi32> to vector<128x1xi32>
    %mul3A = arith.constant 16384 : i32
    %mul3A_7 = arith.muli %arg0, %mul3A : i32
    %add3A = vector.broadcast %mul3A_7 : i32 to vector<128x1xi32>
    %add3A_8 = arith.addi %broadcast_in_dim3A_6, %add3A : vector<128x1xi32>
    %eq3A_9 = arith.constant 0 : i32
    %eq3A_10 = arith.cmpi eq, %arg0, %eq3A_9 : i32
    %convert_element_type3A = arith.extui %eq3A_10 : i1 to i32
    %cond3A = arith.constant 0 : i32
    %cond3A_11 = arith.cmpi ne, %convert_element_type3A, %cond3A : i32
    scf.if %cond3A_11 {
      %swap3A = arith.constant 0 : index
      %swap3A_21 = arith.constant 0 : index
      %swap3A_22 = vector.load %arg4[%swap3A, %swap3A_21] : memref<128x1xf32, #tpu.memory_space<vmem>>, vector<128x1xf32>
      tpu.vector_store %arg4[%swap3A, %swap3A_21], %broadcast_in_dim3A {strides = array<i32>} : memref<128x1xf32, #tpu.memory_space<vmem>>, vector<128x1xf32>,
      %swap3A_23 = arith.constant 0 : index
      %swap3A_24 = arith.constant 0 : index
      %swap3A_25 = vector.load %arg5[%swap3A_23, %swap3A_24] : memref<128x1xi32, #tpu.memory_space<vmem>>, vector<128x1xi32>
      tpu.vector_store %arg5[%swap3A_23, %swap3A_24], %add3A_8 {strides = array<i32>} : memref<128x1xi32, #tpu.memory_space<vmem>>, vector<128x1xi32>,
    } else {
    }
    %gt3A = arith.constant 0 : i32
    %gt3A_12 = arith.cmpi sgt, %arg0, %gt3A : i32
    %convert_element_type3A_13 = arith.extui %gt3A_12 : i1 to i32
    %cond3A_14 = arith.constant 0 : i32
    %cond3A_15 = arith.cmpi ne, %convert_element_type3A_13, %cond3A_14 : i32
    scf.if %cond3A_15 {
      %get3A_21 = arith.constant 0 : index
      %get3A_22 = arith.constant 0 : index
      %get3A_23 = vector.load %arg4[%get3A_21, %get3A_22] : memref<128x1xf32, #tpu.memory_space<vmem>>, vector<128x1xf32>
      %gt3A_24 = arith.cmpf ogt, %broadcast_in_dim3A, %get3A_23 : vector<128x1xf32>
      %get3A_25 = arith.constant 0 : index
      %get3A_26 = arith.constant 0 : index
      %get3A_27 = vector.load %arg5[%get3A_25, %get3A_26] : memref<128x1xi32, #tpu.memory_space<vmem>>, vector<128x1xi32>
      %select_n3A_28 = arith.select %gt3A_24, %add3A_8, %get3A_27 : vector<128x1xi1>, vector<128x1xi32>
      %swap3A = arith.constant 0 : index
      %swap3A_29 = arith.constant 0 : index
      %swap3A_30 = vector.load %arg5[%swap3A, %swap3A_29] : memref<128x1xi32, #tpu.memory_space<vmem>>, vector<128x1xi32>
      tpu.vector_store %arg5[%swap3A, %swap3A_29], %select_n3A_28 {strides = array<i32>} : memref<128x1xi32, #tpu.memory_space<vmem>>, vector<128x1xi32>,
      %get3A_31 = arith.constant 0 : index
      %get3A_32 = arith.constant 0 : index
      %get3A_33 = vector.load %arg4[%get3A_31, %get3A_32] : memref<128x1xf32, #tpu.memory_space<vmem>>, vector<128x1xf32>
      %select_n3A_34 = arith.select %gt3A_24, %broadcast_in_dim3A, %get3A_33 : vector<128x1xi1>, vector<128x1xf32>
      %swap3A_35 = arith.constant 0 : index
      %swap3A_36 = arith.constant 0 : index
      %swap3A_37 = vector.load %arg4[%swap3A_35, %swap3A_36] : memref<128x1xf32, #tpu.memory_space<vmem>>, vector<128x1xf32>
      tpu.vector_store %arg4[%swap3A_35, %swap3A_36], %select_n3A_34 {strides = array<i32>} : memref<128x1xf32, #tpu.memory_space<vmem>>, vector<128x1xf32>,
    } else {
    }
    %eq3A_16 = arith.constant 1 : i32
    %eq3A_17 = arith.cmpi eq, %arg0, %eq3A_16 : i32
    %convert_element_type3A_18 = arith.extui %eq3A_17 : i1 to i32
    %cond3A_19 = arith.constant 0 : i32
    %cond3A_20 = arith.cmpi ne, %convert_element_type3A_18, %cond3A_19 : i32
    scf.if %cond3A_20 {
      %get3A_21 = arith.constant 0 : index
      %get3A_22 = arith.constant 0 : index
      %get3A_23 = vector.load %arg5[%get3A_21, %get3A_22] : memref<128x1xi32, #tpu.memory_space<vmem>>, vector<128x1xi32>
      %swap3A = arith.constant 0 : index
      %swap3A_24 = arith.constant 0 : index
      %swap3A_25 = vector.load %arg2[%swap3A, %swap3A_24] : memref<128x1xi32, #tpu.memory_space<vmem>>, vector<128x1xi32>
      tpu.vector_store %arg2[%swap3A, %swap3A_24], %get3A_23 {strides = array<i32>} : memref<128x1xi32, #tpu.memory_space<vmem>>, vector<128x1xi32>,
      %iota3A_26 = tpu.iota {dimensions = array<i32: 1>} : vector<128x128xi32>
      %get3A_27 = arith.constant 0 : index
      %get3A_28 = arith.constant 0 : index
      %get3A_29 = vector.load %arg5[%get3A_27, %get3A_28] : memref<128x1xi32, #tpu.memory_space<vmem>>, vector<128x1xi32>
      %jit3A_30 = arith.constant 128 : i32
      %eq3A_31 = arith.constant 0 : i32
      %eq3A_32 = arith.cmpi eq, %jit3A_30, %eq3A_31 : i32
      %jit3A_33 = arith.constant 1 : i32
      %select_n3A_34 = arith.select %eq3A_32, %jit3A_33, %jit3A_30 : i32
      %rem3A = vector.broadcast %select_n3A_34 : i32 to vector<128x1xi32>
      %rem3A_35 = arith.remsi %get3A_29, %rem3A : vector<128x1xi32>
      %ne3A = arith.constant 0 : i32
      %ne3A_36 = vector.broadcast %ne3A : i32 to vector<128x1xi32>
      %ne3A_37 = arith.cmpi ne, %rem3A_35, %ne3A_36 : vector<128x1xi32>
      %lt3A = arith.constant 0 : i32
      %lt3A_38 = vector.broadcast %lt3A : i32 to vector<128x1xi32>
      %lt3A_39 = arith.cmpi slt, %rem3A_35, %lt3A_38 : vector<128x1xi32>
      %lt3A_40 = arith.constant 0 : i32
      %lt3A_41 = arith.cmpi slt, %select_n3A_34, %lt3A_40 : i32
      %ne3A_42 = vector.broadcast %lt3A_41 : i1 to vector<128x1xi1>
      %ne3A_43 = vector.broadcast %ne3A_42 : vector<128x1xi1> to vector<128x1xi1>
      %ne3A_44 = arith.xori %lt3A_39, %ne3A_43 : vector<128x1xi1>
      %and3A = arith.andi %ne3A_44, %ne3A_37 : vector<128x1xi1>
      %add3A_45 = vector.broadcast %select_n3A_34 : i32 to vector<128x1xi32>
      %add3A_46 = arith.addi %rem3A_35, %add3A_45 : vector<128x1xi32>
      %select_n3A_47 = arith.select %and3A, %add3A_46, %rem3A_35 : vector<128x1xi1>, vector<128x1xi32>
      %eq3A_48 = vector.broadcast %select_n3A_47 : vector<128x1xi32> to vector<128x128xi32>
      %eq3A_49 = arith.cmpi eq, %iota3A_26, %eq3A_48 : vector<128x128xi32>
      %jit3A_50 = arith.constant 1.000000e+00 : f32
      %jit3A_51 = arith.constant 0.000000e+00 : f32
      %broadcast_in_dim3A_52 = vector.broadcast %jit3A_50 : f32 to vector<128x128xf32>
      %broadcast_in_dim3A_53 = vector.broadcast %jit3A_51 : f32 to vector<128x128xf32>
      %select_n3A_54 = arith.select %eq3A_49, %broadcast_in_dim3A_52, %broadcast_in_dim3A_53 : vector<128x128xi1>, vector<128x128xf32>
      %swap3A_55 = arith.constant 0 : index
      %swap3A_56 = arith.constant 0 : index
      %swap3A_57 = vector.load %arg3[%swap3A_55, %swap3A_56] : memref<128x128xf32, #tpu.memory_space<vmem>>, vector<128x128xf32>
      tpu.vector_store %arg3[%swap3A_55, %swap3A_56], %select_n3A_54 {strides = array<i32>} : memref<128x128xf32, #tpu.memory_space<vmem>>, vector<128x128xf32>,
    } else {
    }
    return
  }
  func.func @transform_0(%arg0: i32) -> (i32, i32) {
    %c0_i32 = arith.constant 0 : i32
    %c0_i32_0 = arith.constant 0 : i32
    return %c0_i32, %arg0 : i32, i32
  }
  func.func @transform_1(%arg0: i32) -> (i32, i32) {
    %c0_i32 = arith.constant 0 : i32
    %c0_i32_0 = arith.constant 0 : i32
    %c0_i32_1 = arith.constant 0 : i32
    return %c0_i32, %c0_i32_0 : i32, i32
  }
  func.func @transform_2(%arg0: i32) -> (i32, i32) {
    %c0_i32 = arith.constant 0 : i32
    %c0_i32_0 = arith.constant 0 : i32
    %c0_i32_1 = arith.constant 0 : i32
    return %c0_i32, %c0_i32_0 : i32, i32
  }
}

</mosaic_0001>

<sc_bundles>
// kernel: kernel.5.cloned.1.call-start
scs
__scs_entry_jumppad:
0x0: {  	(pc) =	sbr.rel $0x88, $3  }
0x1: {  	(tag) =	ssettag $0x0;
	lr =	simm.s32 $0x1  }
0x2: {  	[smem:$0x3FA0] =	sst lr;
	_ =	strace $0xD0000000  }
0x3: {  	_ = 	snop  }
0x4: {  	_ = 	snop  }
0x5: {  	_ = 	snop  }
0x6: {  	_ = 	snop  }
0x7: {  	_ = 	snop  }
__scs_overlays_trampoline_lowered:
0x8: {  	[smem:$0x3FAF] =	sst s0  }
0x9: {  	[smem:$0x3FB0] =	sst s1  }
0xa: {  	[smem:$0x3FB1] =	sst s2  }
0xb: {  	[smem:$0x3FB2] =	sst s3  }
0xc: {  	[smem:$0x3FB3] =	sst s4  }
0xd: {  	[smem:$0x3FB4] =	sst s5  }
0xe: {  	[smem:$0x3FB5] =	sst s6  }
0xf: {  	[smem:$0x3FB6] =	sst s7  }
0x10: {  	[smem:$0x3FB7] =	sst s8  }
0x11: {  	[smem:$0x3FB8] =	sst s9;
	s0 =	simm.s32 @!p0 $0x0  }
0x12: {  	s1 =	sld [smem:$0x3F9E];
	s0 =	simm.s32 @p0 $0x1  }
0x13: {  	[smem:$0x3FB9] =	sst s0;
	s0 =	simm.s32 @!p1 $0x0  }
0x14: {  	s2 =	sld [smem:$0x3F9D];
	s0 =	simm.s32 @p1 $0x1  }
0x15: {  	[smem:$0x3FBA] =	sst s0;
	s0 =	simm.s32 @!p2 $0x0  }
0x16: {  	s3 =	sld [smem:$0x3FDB];
	s0 =	simm.s32 @p2 $0x1  }
0x17: {  	s4 =	simm.s32 $0x1BF5;
	[smem:$0x3FBC] =	sst s0  }
0x18: {  	s0 =	sld [smem:$0x3F9F];
	_ =	swait.ge [sflag:s4], $0x0  }
0x19: {  	s7 =	sld [smem:$0x3FA0]  }
0x1a: {  	s8 =	sadd.s32 $0xFFFFE003, lr  }
0x1b: {  	s9 =	sadd.s32 $0xFFFFFEF7, lr;
	s5 =	simm.s32 $0xFFFFFFFF;
	p2 =	slt.u32 s8, $0xFFFFF086  }
0x1c: {  	p1 =	slt.u32 s9, $0xF7A;
	s5 =	simm.s32 @!p2 $0x0  }
0x1d: {  	s5 =	simm.s32 @p1 $0x1;
	p0 =	seq.s32 s7, s2  }
0x1e: {  	s7 =	smul.u32 @!p0 $0xF7A, s2;
	p2 =	seq.s32 @!p0 s5, $0x0  }
0x1f: {  	s9 =	smul.u32 $0xF7A, s1;
	s8 =	simm.s32 @!p0 $0x1BF5;
	p2 =	por !p2, p0  }
0x20: {  	[sflag:s8] =	ssyncset.s32 @!p0 $0xFFFFF086;
	s6 =	sadd.s32 @!p0 s3, s7;
	s7 =	simm.s32 @!p0 $0x108  }
0x21: {  	s3 =	sadd.s32 s3, s9;
	s6 =	sadd.s32 @!p0 $0x88, s6;
	s7 =	simm.s32 @p2 $0x1082  }
0x22: {  	[simem:s7], [sflag:s8] =	dma.local @!p0 [hbm:s6], $0xF7A  }
0x23: {  	s9 =	sor.u32 $0xD0000000, s2;
	s6 =	simm.s32 $0x108;
	_ =	swait.ge @!p0 [sflag:s8], $0x0  }
0x24: {  	s3 =	sadd.s32 $0x88, s3;
	s6 =	simm.s32 @!p1 $0x1082;
	[sflag:s4] =	ssyncset.s32 $0xFFFFF086  }
0x25: {  	[simem:s6], [sflag:s4] =	dma.local [hbm:s3], $0xF7A  }
0x26: {  	[smem:$0x3FA0] =	sst s1;
	(tag) =	ssettag s2;
	_ =	strace s9  }
0x27: {  	s1 =	sld [smem:$0x3FB0]  }
0x28: {  	s2 =	sld [smem:$0x3FB1]  }
0x29: {  	s4 =	sld [smem:$0x3FB3]  }
0x2a: {  	p0 =	seq.s32 s5, $0x0;
	s5 =	sld [smem:$0x3FB4]  }
0x2b: {  	s6 =	sld [smem:$0x3FB5]  }
0x2c: {  	s7 =	sld [smem:$0x3FB6]  }
0x2d: {  	s3 =	simm.s32 $0x108;
	s8 =	sld [smem:$0x3FB7]  }
0x2e: {  	s3 =	simm.s32 @!p0 $0x1082;
	s9 =	sld [smem:$0x3FB8]  }
0x2f: {  	lr =	sadd.s32 s0, s3;
	s0 =	sld [smem:$0x3FAF]  }
0x30: {  	s3 =	sld [smem:$0x3FB2]  }
0x31: {  	[smem:$0x3FBB] =	sst s10  }
0x32: {  	s10 =	sld [smem:$0x3FB9];
	_ =	sdelay $0x3  }
0x33: {  	p0 =	seq.s32 s10, $0x1;
	s10 =	sld [smem:$0x3FBB];
	_ =	sdelay $0x3  }
0x34: {  	[smem:$0x3FBB] =	sst s10  }
0x35: {  	s10 =	sld [smem:$0x3FBA];
	_ =	sdelay $0x3  }
0x36: {  	p1 =	seq.s32 s10, $0x1;
	s10 =	sld [smem:$0x3FBB];
	_ =	sdelay $0x3  }
0x37: {  	[smem:$0x3FBB] =	sst s10  }
0x38: {  	s10 =	sld [smem:$0x3FBC]  }
0x39: {  	_ = 	snop;
	(pc) =	sbr.ind lr, $3  }
0x3a: {  	_ = 	snop  }
0x3b: {  	_ = 	snop  }
0x3c: {  	p2 =	seq.s32 s10, $0x1;
	s10 =	sld [smem:$0x3FBB]  }
0x3d: {  	_ =	shalt  }
0x3e: {  	_ =	shalt  }
0x3f: {  	_ =	shalt  }
0x40: {  	_ =	shalt  }
0x41: {  	_ =	shalt  }
0x42: {  	_ =	shalt  }
0x43: {  	_ =	shalt  }
0x44: {  	_ =	shalt  }
0x45: {  	_ =	shalt  }
0x46: {  	_ =	shalt  }
0x47: {  	_ =	shalt  }
0x48: {  	_ =	shalt  }
0x49: {  	_ =	shalt  }
0x4a: {  	_ =	shalt  }
0x4b: {  	_ =	shalt  }
0x4c: {  	_ =	shalt  }
0x4d: {  	_ =	shalt  }
0x4e: {  	_ =	shalt  }
0x4f: {  	_ =	shalt  }
0x50: {  	_ =	shalt  }
0x51: {  	_ =	shalt  }
0x52: {  	_ =	shalt  }
0x53: {  	_ =	shalt  }
0x54: {  	_ =	shalt  }
0x55: {  	_ =	shalt  }
0x56: {  	_ =	shalt  }
0x57: {  	_ =	shalt  }
0x58: {  	_ =	shalt  }
0x59: {  	_ =	shalt  }
0x5a: {  	_ =	shalt  }
0x5b: {  	_ =	shalt  }
0x5c: {  	_ =	shalt  }
0x5d: {  	_ =	shalt  }
0x5e: {  	_ =	shalt  }
0x5f: {  	_ =	shalt  }
0x60: {  	_ =	shalt  }
0x61: {  	_ =	shalt  }
0x62: {  	_ =	shalt  }
0x63: {  	_ =	shalt  }
0x64: {  	_ =	shalt  }
0x65: {  	_ =	shalt  }
0x66: {  	_ =	shalt  }
0x67: {  	_ =	shalt  }
0x68: {  	_ =	shalt  }
0x69: {  	_ =	shalt  }
0x6a: {  	_ =	shalt  }
0x6b: {  	_ =	shalt  }
0x6c: {  	_ =	shalt  }
0x6d: {  	_ =	shalt  }
0x6e: {  	_ =	shalt  }
0x6f: {  	_ =	shalt  }
0x70: {  	_ =	shalt  }
0x71: {  	_ =	shalt  }
0x72: {  	_ =	shalt  }
0x73: {  	_ =	shalt  }
0x74: {  	_ =	shalt  }
0x75: {  	_ =	shalt  }
0x76: {  	_ =	shalt  }
0x77: {  	_ =	shalt  }
0x78: {  	_ =	shalt  }
0x79: {  	_ =	shalt  }
0x7a: {  	_ =	shalt  }
0x7b: {  	_ =	shalt  }
0x7c: {  	_ =	shalt  }
0x7d: {  	_ =	shalt  }
0x7e: {  	_ =	shalt  }
0x7f: {  	_ =	shalt  }
0x80: {  	_ =	shalt  }
0x81: {  	_ =	shalt  }
0x82: {  	_ =	shalt  }
0x83: {  	_ =	shalt  }
0x84: {  	_ =	shalt  }
0x85: {  	_ =	shalt  }
0x86: {  	_ =	shalt  }
0x87: {  	_ =	shalt  }
.Lfunc_end0:
.L_simem_size_0:
called_computation_lowered:
.L_overlay_start_0:
0x88: {  	s2 =	sld [smem:$0x3FD9]  }
0x89: {  	s3 =	sld [smem:$0x3FFE];
	_ =	sdelay $0x1  }
0x8a: {  	s1 =	srdreg.scid  }
0x8b: {  	s0 =	sand.u32 $0x1, s1  }
0x8c: {  	s18 =	sshll.u32 s0, $0xA;
	s2 =	sadd.s32 s3, s2  }
0x8d: {  	s2 =	sadd.s32 s2, s18  }
0x8e: {  	[smem:$0x3FC7] =	sst s2  }
0x8f: {  	_ = 	snop  }
0x90: {  	s2 =	sld [smem:$0x3FD0];
	(tm) =	ssettm $0x1  }
0x91: {  	s19 =	sld [smem:$0x3FFB];
	_ =	sdelay $0x3  }
0x92: {  	_ =	strace s19  }
0x93: {  	s3 =	sld [smem:$0x3FFC];
	_ =	sdelay $0x3  }
0x94: {  	_ =	strace s3  }
0x95: {  	s3 =	sld [smem:$0x3FFD];
	_ =	sdelay $0x3  }
0x96: {  	_ =	strace s3  }
0x97: {  	_ =	strace $0x8FFFFFFF  }
0x98: {  	s20 =	sld [smem:$0x3FDB];
	_ =	sdelay $0x1  }
0x99: {  	s4 =	simm.s32 $_scs_section_size  }
0x9a: {  	s5 =	simm.s32 $_size__tile_overlayer_lowered;
	s6 =	simm.s32 $_tile_overlayer_lowered  }
0x9b: {  	s23 =	simm.s32 $0x1BFF;
	s22 =	sshll.u32 s6, $0x1;
	s3 =	sadd.s32 s4, s20  }
0x9c: {  	s7 =	simm.s32 $0x0;
	s21 =	sshll.u32 s5, $0x1;
	s5 =	sadd.s32 s22, s3  }
0x9d: {  	[timem:s7], [sflag:s23] =	dma.local [hbm:s5], s21  }
0x9e: {  	_ =	swait.ge [sflag:s23], s21  }
0x9f: {  	s4 =	ssub.s32 $0x0, s21;
	[sflag:s23] =	ssyncset.done $0x0  }
0xa0: {  	[sflag:s23] =	ssyncadd.s32 s4;
	_ =	sdelay $0x1  }
0xa1: {  	s24 =	simm.s32 $0x1B8B  }
0xa2: {  	_ =	swait.ge [sflag:s24], $0x1  }
0xa3: {  	[sflag:s24] =	ssyncset.done $0x0  }
0xa4: {  	s25 =	simm.s32 $0x1B8E;
	[sflag:s24] =	ssyncadd.s32 $0xFFFFFFFF  }
0xa5: {  	s26 =	simm.s32 $execute0_lowered;
	[smem:$0x3FD2] =	sst s25  }
0xa6: {  	s4 =	sshll.u32 s26, $0x1;
	_ =	strace $0x80000046;
	[dreg:$0x1] =	wrdreg $0xFFFFFFFF  }
0xa7: {  	s28 =	simm.s32 $_size_execute0_lowered;
	s3 =	sadd.s32 s3, s4;
	[dreg:$0x0] =	wrdreg $0x0  }
0xa8: {  	s4 =	sshll.u32 s28, $0x1;
	[dreg:$0x2] =	wrdreg s3  }
0xa9: {  	[dreg:$0x3] =	wrdreg s4  }
0xaa: {  	[dreg:$0x4] =	wrdreg $0xC0  }
0xab: {  	_ =	task [dreg:s7], $0x5FFFF  }
0xac: {  	[dreg:$0x1] =	wrdreg $0xFFFFFFFF  }
0xad: {  	[dreg:$0x0] =	wrdreg $0x60  }
0xae: {  	[dreg:$0x2] =	wrdreg s2  }
0xaf: {  	[dreg:$0x3] =	wrdreg $0x9  }
0xb0: {  	_ =	task.clear_ibuf [dreg:s7], $0x4FFFF;
	_ =	strace $0x90000046  }
0xb1: {  	s29 =	simm.s32 $0x9;
	_ =	strace $0x80000048  }
0xb2: {  	_ =	swait.ge [sflag:s29], $0x1  }
0xb3: {  	[sflag:s29] =	ssyncadd.s32 $0xFFFFFFFF  }
0xb4: {  	_ =	strace $0x90000048  }
0xb5: {  	_ =	sfence  }
0xb6: {  	s30 =	sld [smem:$0x0];
	_ =	sdelay $0x2  }
0xb7: {  	s31 =	sshll.u32 s1, $0xD;
	s1 =	sshrl.u32 s1, $0x2  }
0xb8: {  	s3 =	sand.u32 $0x4000, s31;
	s1 =	sadd.s32 s1, s30  }
0xb9: {  	s0 =	sor.u32 s3, s0;
	s1 =	sshll.u32 s1, $0x11  }
0xba: {  	s0 =	sor.u32 s1, s0  }
0xbb: {  	s0 =	sadd.s32 $0x8F2B, s0  }
0xbc: {  	[sflag:s0] =	ssyncadd.remote.s32 $0x1  }
0xbd: {  	_ =	sfence.sel $0xFFFF  }
0xbe: {  	[dreg:$0x0] =	wrdreg $0xFFFFFFFF;
	(pc) =	sbr.abs _section_cstart, $3  }
0xbf: {  	[dreg:$0x1] =	wrdreg $0xFFFFFFFF  }
0xc0: {  	_ =	task.clear_ibuf [dreg:s7], $0x2FFFF;
	_ =	strace $0x9FFFFFFF  }
0xc1: {  	(tm) =	ssettm $0x7FFFFFFF  }
tec
execute0_lowered:
.L_overlay_start_1:
0x0: {  	(tag) =	ssettag $0x1  }
0x1: {  	s3 =	rddreg [dreg:$0x0]  }
0x2: {  	s0 =	rddreg [dreg:$0x1]  }
0x3: {  	s2 =	simm.s32 $0x0;
	s4 =	srdreg.scid;
	s1 =	stileid.u32  }
0x4: {  	s12 =	simm.s32 $0x1;
	s13 =	simm.s32 $0x0;
	s5 =	sshll.u32 s1, $0x1  }
0x5: {  	s4 =	sand.u32 $0x1, s4;
	s7 =	sshll.u32 s1, $0xB;
	s5 =	sand.u32 $0xE, s5  }
0x6: {  	s6 =	ssub.s32 $0x2, s4;
	s31 =	sand.u32 $0x4000, s7;
	s4 =	sor.u32 s4, s5  }
0x7: {  	s8 =	sshrl.u32 s6, $0x1;
	s3 =	sadd.s32 s3, s31;
	s4 =	sshll.u32 s4, $0xF  }
0x8: {  	[smem:$0x7FF] =	sst s2;
	s6 =	ssub.s32 s6, s8;
	s3 =	sadd.s32 s4, s3  }
0x9: {  	_ =	strace $0x80000047;
	s4 =	smax.u32 s6, $0x1;
	s5 =	sadd.s32 $0x800, s3  }
0xa: {  	s6 =	sadd.s32 $0x1000, s3;
	s7 =	sadd.s32 $0x1800, s3;
	s8 =	sadd.s32 $0x2000, s3  }
0xb: {  	v0 =	vimm.f32 $0.0e+00;
	s9 =	sadd.s32 $0x2800, s3;
	s10 =	sadd.s32 $0x3000, s3;
	s11 =	sadd.s32 $0x3800, s3  }
.LBB2_1:
0xc: {  	s14 =	sand.u32 $0x380, s2;
	s15 =	sand.u32 $0x3C00, s2  }
0xd: {  	s16 =	sand.u32 $0x70, s2;
	s14 =	sor.u32 s14, s15  }
0xe: {  	s15 =	sor.u32 s16, s14  }
0xf: {  	s14 =	simm.s32 $0x1;
	s16 =	simm.s32 $0x0;
	[tilespmem:s15+$0x0] =	vst v0;
	s15 =	simm.s32 $0x0  }
.LBB2_2:
0x10: {  	s17 =	sand.u32 $0x380, s14;
	p0 =	sne.s32 s14, $0x3FF  }
.Ltmp0:
0x11: {  	s15 =	sadd.s32 $0x10, s15;
	s16 =	sadd.s32 $0x80, s16;
	(pc) =	sbr.rel @p0 .LBB2_2-.Ltmp0, $4  }
0x12: {  	s14 =	sadd.s32 $0x1, s14;
	s18 =	sand.u32 $0x3C00, s16  }
0x13: {  	s19 =	sand.u32 $0x70, s15;
	s17 =	sor.u32 s17, s18  }
0x14: {  	s17 =	sor.u32 s19, s17  }
0x15: {  	[tilespmem:s17+$0x0] =	vst v0  }
0x16: {  	[hbm4b:s3+s2] =	stream.linear.scatter [tilespmem:s2], [sflag:$0x1], $0x4000, $0x38;
	[tilespmem:$0x4000] =	vst v63  }
0x17: {  	_ = 	snop  }
0x18: {  	[hbm4b:s3+s2] =	stream.linear.scatter [tilespmem:s2], [sflag:$0x1], $0x4000, $0x38;
	[tilespmem:$0x4000] =	vst v63  }
0x19: {  	_ = 	snop  }
0x1a: {  	[hbm4b:s5+s2] =	stream.linear.scatter [tilespmem:s2], [sflag:$0x1], $0x4000, $0x38;
	[tilespmem:$0x4000] =	vst v63  }
0x1b: {  	_ = 	snop  }
0x1c: {  	[hbm4b:s5+s2] =	stream.linear.scatter [tilespmem:s2], [sflag:$0x1], $0x4000, $0x38;
	[tilespmem:$0x4000] =	vst v63  }
0x1d: {  	_ = 	snop  }
0x1e: {  	[hbm4b:s6+s2] =	stream.linear.scatter [tilespmem:s2], [sflag:$0x1], $0x4000, $0x38;
	[tilespmem:$0x4000] =	vst v63  }
0x1f: {  	_ = 	snop  }
0x20: {  	[hbm4b:s6+s2] =	stream.linear.scatter [tilespmem:s2], [sflag:$0x1], $0x4000, $0x38;
	[tilespmem:$0x4000] =	vst v63  }
0x21: {  	_ = 	snop  }
0x22: {  	[hbm4b:s7+s2] =	stream.linear.scatter [tilespmem:s2], [sflag:$0x1], $0x4000, $0x38;
	[tilespmem:$0x4000] =	vst v63  }
0x23: {  	_ = 	snop  }
0x24: {  	[hbm4b:s7+s2] =	stream.linear.scatter [tilespmem:s2], [sflag:$0x1], $0x4000, $0x38;
	[tilespmem:$0x4000] =	vst v63  }
0x25: {  	_ = 	snop  }
0x26: {  	[hbm4b:s8+s2] =	stream.linear.scatter [tilespmem:s2], [sflag:$0x1], $0x4000, $0x38;
	[tilespmem:$0x4000] =	vst v63  }
0x27: {  	_ = 	snop  }
0x28: {  	[hbm4b:s8+s2] =	stream.linear.scatter [tilespmem:s2], [sflag:$0x1], $0x4000, $0x38;
	[tilespmem:$0x4000] =	vst v63  }
0x29: {  	_ = 	snop  }
0x2a: {  	[hbm4b:s9+s2] =	stream.linear.scatter [tilespmem:s2], [sflag:$0x1], $0x4000, $0x38;
	[tilespmem:$0x4000] =	vst v63  }
0x2b: {  	_ = 	snop  }
0x2c: {  	[hbm4b:s9+s2] =	stream.linear.scatter [tilespmem:s2], [sflag:$0x1], $0x4000, $0x38;
	[tilespmem:$0x4000] =	vst v63  }
0x2d: {  	_ = 	snop  }
0x2e: {  	[hbm4b:s10+s2] =	stream.linear.scatter [tilespmem:s2], [sflag:$0x1], $0x4000, $0x38;
	[tilespmem:$0x4000] =	vst v63  }
0x2f: {  	_ = 	snop  }
0x30: {  	[hbm4b:s10+s2] =	stream.linear.scatter [tilespmem:s2], [sflag:$0x1], $0x4000, $0x38;
	[tilespmem:$0x4000] =	vst v63  }
0x31: {  	_ = 	snop  }
0x32: {  	[hbm4b:s11+s2] =	stream.linear.scatter [tilespmem:s2], [sflag:$0x1], $0x4000, $0x38;
	[tilespmem:$0x4000] =	vst v63  }
0x33: {  	_ = 	snop  }
0x34: {  	[hbm4b:s11+s2] =	stream.linear.scatter [tilespmem:s2], [sflag:$0x1], $0x4000, $0x38;
	[tilespmem:$0x4000] =	vst v63  }
0x35: {  	_ = 	snop  }
0x36: {  	[hbm4b:s3+s2] =	stream.linear.scatter [tilespmem:s2], [sflag:$0x1], $0x4000, $0x38;
	[tilespmem:$0x4000] =	vst v63  }
0x37: {  	_ =	swait.ge [sflag:s12], $0x4000  }
0x38: {  	[sflag:s12] =	ssyncset.done $0x0  }
0x39: {  	[sflag:s12] =	ssyncadd.s32 $0xFFFFC000  }
0x3a: {  	[hbm4b:s3+s2] =	stream.linear.scatter [tilespmem:s2], [sflag:$0x1], $0x4000, $0x38;
	[tilespmem:$0x4000] =	vst v63  }
0x3b: {  	_ =	swait.ge [sflag:s12], $0x4000  }
0x3c: {  	[sflag:s12] =	ssyncset.done $0x0  }
0x3d: {  	[sflag:s12] =	ssyncadd.s32 $0xFFFFC000  }
0x3e: {  	[hbm4b:s3+s2] =	stream.linear.scatter [tilespmem:s2], [sflag:$0x1], $0x4000, $0x38;
	[tilespmem:$0x4000] =	vst v63  }
0x3f: {  	_ =	swait.ge [sflag:s12], $0x4000  }
0x40: {  	[sflag:s12] =	ssyncset.done $0x0  }
0x41: {  	[sflag:s12] =	ssyncadd.s32 $0xFFFFC000  }
0x42: {  	[hbm4b:s3+s2] =	stream.linear.scatter [tilespmem:s2], [sflag:$0x1], $0x4000, $0x38;
	[tilespmem:$0x4000] =	vst v63  }
0x43: {  	_ =	swait.ge [sflag:s12], $0x4000  }
0x44: {  	[sflag:s12] =	ssyncset.done $0x0  }
0x45: {  	[sflag:s12] =	ssyncadd.s32 $0xFFFFC000  }
0x46: {  	[hbm4b:s3+s2] =	stream.linear.scatter [tilespmem:s2], [sflag:$0x1], $0x4000, $0x38;
	[tilespmem:$0x4000] =	vst v63  }
0x47: {  	_ =	swait.ge [sflag:s12], $0x4000  }
0x48: {  	[sflag:s12] =	ssyncset.done $0x0  }
0x49: {  	[sflag:s12] =	ssyncadd.s32 $0xFFFFC000  }
0x4a: {  	[hbm4b:s3+s2] =	stream.linear.scatter [tilespmem:s2], [sflag:$0x1], $0x4000, $0x38;
	[tilespmem:$0x4000] =	vst v63  }
0x4b: {  	_ =	swait.ge [sflag:s12], $0x4000  }
0x4c: {  	[sflag:s12] =	ssyncset.done $0x0  }
0x4d: {  	[sflag:s12] =	ssyncadd.s32 $0xFFFFC000  }
0x4e: {  	[hbm4b:s3+s2] =	stream.linear.scatter [tilespmem:s2], [sflag:$0x1], $0x4000, $0x38;
	[tilespmem:$0x4000] =	vst v63  }
0x4f: {  	s13 =	sadd.s32 $0x1, s13;
	_ =	swait.ge [sflag:s12], $0x4000  }
0x50: {  	p0 =	sne.s32 s13, s4;
	[sflag:s12] =	ssyncset.done $0x0  }
.Ltmp1:
0x51: {  	[sflag:s12] =	ssyncadd.s32 $0xFFFFC000;
	(pc) =	sbr.rel @p0 .LBB2_1-.Ltmp1, $4  }
0x52: {  	[hbm4b:s3+s2] =	stream.linear.scatter [tilespmem:s2], [sflag:$0x1], $0x4000, $0x38;
	[tilespmem:$0x4000] =	vst v63  }
0x53: {  	_ =	swait.ge [sflag:s12], $0x4000  }
0x54: {  	[sflag:s12] =	ssyncset.done $0x0  }
0x55: {  	[sflag:s12] =	ssyncadd.s32 $0xFFFFC000  }
0x56: {  	_ =	sfence.sel $0x180000  }
0x57: {  	[bflag:$0x0] =	sbarrier.arrive $0xFFFF  }
0x58: {  	p0 =	sne.s32 s1, $0x0;
	_ =	strace $0x90000047  }
0x59: {  	s0 =	sadd.s32 @!p0 $0x100000, s0;
	[bflag:$0x2] =	sbarrier.arrive $0xFFFF  }
0x5a: {  	[sflag:s0] =	ssyncadd.tile.s32 @!p0 $0x1;
	_ =	shalt  }
.Lfunc_end2:
_tile_overlayer_lowered:
.L_overlay_start_2:
0x5b: {  	(tag) =	ssettag $0x2  }
0x5c: {  	s0 =	rddreg [dreg:$0x0];
	s2 =	stileid.u32  }
0x5d: {  	s1 =	rddreg [dreg:$0x1];
	p0 =	sne.s32 s2, $0x0  }
0x5e: {  	s3 =	rddreg [dreg:$0x2];
	[bflag:$0x3] =	sbarrier.arrive $0xFFFF;
	s2 =	simm.s32 @!p0 $0x1C02  }
0x5f: {  	[timem:s3], [sflag:s2] =	dma.local @!p0 [hbm:s0], s1  }
0x60: {  	s0 =	simm.s32 @!p0 $0x2  }
0x61: {  	_ =	swait.ge @!p0 [sflag:s0], s1  }
0x62: {  	s1 =	ssub.s32 @!p0 $0x0, s1;
	[sflag:s0] =	ssyncset.done @!p0 $0x0  }
0x63: {  	[sflag:s0] =	ssyncadd.s32 @!p0 s1  }
0x64: {  	[bflag:$0x3] =	sbarrier.arrive $0xFFFF  }
0x65: {  	_ =	shalt  }

</sc_bundles>
